<compile_context>
chip_gen: v7x
topology: tpu7x:2x2x1
jax: 0.10.2.dev20260603
libtpu: 0.0.44.dev20260713+nightly
codegen_flags: <defaults>
</compile_context>

<pallas_src>
import jax
import jax.numpy as jnp
from jax import lax
from jax.experimental import pallas as pl
from jax.experimental.pallas import tpu as pltpu
from jax.experimental.pallas import tpu_sc as plsc

N = 10000
E = 320000
D = 128

NC = 2
NS = 16
NW = NC * NS
EPW = E // NW
B = 40
NBLK = EPW // B
RPS = N // NS
ZR = 125
ZRW = 25

_mesh = plsc.VectorSubcoreMesh(core_axis_name="c", subcore_axis_name="s")
_sc_params = pltpu.CompilerParams(use_tc_tiling_on_sc=False)




def _deg_body(dst_hbm, deg_hbm, didx_v, ones_v, zeros_v, hist_sh, sem):
    cid = lax.axis_index("c")
    sid = lax.axis_index("s")
    wid = sid * NC + cid

    @pl.loop(0, B, step=16)
    def _(i):
        ones_v[pl.ds(i, 16)] = jnp.ones((16,), jnp.float32)

    @pl.loop(0, 1000, step=16)
    def _(i):
        zeros_v[pl.ds(i, 16)] = jnp.zeros((16,), jnp.float32)

    @pl.when(sid < 10)
    def _():
        pltpu.sync_copy(zeros_v, hist_sh.at[pl.ds(sid * 1000, 1000)])

    plsc.subcore_barrier()

    pltpu.sync_copy(dst_hbm.at[wid], didx_v)

    @pl.loop(0, NBLK)
    def _(j):
        pltpu.async_copy(ones_v, hist_sh.at[didx_v.at[j]], sem, add=True)

    @pl.loop(0, NBLK)
    def _(j):
        pltpu.make_async_copy(ones_v, hist_sh.at[didx_v.at[j]], sem).wait()

    plsc.subcore_barrier()

    @pl.when(sid < 10)
    def _():
        row = cid * 10 + sid
        pltpu.sync_copy(hist_sh.at[pl.ds(sid * 1000, 1000)], deg_hbm.at[row])


@jax.jit
def _deg_parts(dst3):
    k = pl.kernel(
        _deg_body,
        out_type=jax.ShapeDtypeStruct((NC * 10, 1000), jnp.float32),
        mesh=_mesh,
        compiler_params=_sc_params,
        scratch_types=[
            pltpu.VMEM((NBLK, B), jnp.int32),
            pltpu.VMEM((B,), jnp.float32),
            pltpu.VMEM((1000,), jnp.float32),
            pltpu.VMEM_SHARED((N,), jnp.float32),
            pltpu.SemaphoreType.DMA,
        ],
    )
    return k(dst3).reshape(NC, N)


NBUF = 5
LEAD = 4
_T = NBLK // NBUF


def _edge_body(g_hbm, src_hbm, dst_hbm, acc_hbm,
               sidx_v, didx_v, zeros_v,
               r0, r1, r2, r3, r4,
               g0, g1, g2, g3, g4, s0, s1, s2, s3, s4, acc_sh):
    rows = (r0, r1, r2, r3, r4)
    gsems = (g0, g1, g2, g3, g4)
    ssems = (s0, s1, s2, s3, s4)
    cid = lax.axis_index("c")
    sid = lax.axis_index("s")
    wid = sid * NC + cid

    @pl.loop(0, ZRW)
    def _(r):
        @pl.loop(0, D, step=16)
        def _(c):
            zeros_v[r, pl.ds(c, 16)] = jnp.zeros((16,), jnp.float32)

    @pl.loop(0, RPS // ZRW)
    def _(kk):
        pltpu.sync_copy(zeros_v, acc_sh.at[pl.ds(sid * RPS + kk * ZRW, ZRW)])

    pltpu.sync_copy(src_hbm.at[wid], sidx_v)
    pltpu.sync_copy(dst_hbm.at[wid], didx_v)

    def _block(k, i, refill, wait_scatter):
        m = (i + LEAD) % NBUF
        if wait_scatter:
            pltpu.make_async_copy(rows[m],
                                  acc_sh.at[didx_v.at[k + LEAD - NBUF]],
                                  ssems[m]).wait()
        if refill:
            pltpu.async_copy(g_hbm.at[sidx_v.at[k + LEAD]], rows[m], gsems[m])
        pltpu.make_async_copy(g_hbm.at[sidx_v.at[k]], rows[i], gsems[i]).wait()
        pltpu.async_copy(rows[i], acc_sh.at[didx_v.at[k]], ssems[i], add=True)

    for i in range(LEAD):
        pltpu.async_copy(g_hbm.at[sidx_v.at[i]], rows[i], gsems[i])

    plsc.subcore_barrier()

    for k in range(NBUF):
        _block(k, k, refill=True, wait_scatter=(k + LEAD >= NBUF))

    @pl.loop(1, _T - 1)
    def _(t):
        for i in range(NBUF):
            _block(t * NBUF + i, i, refill=True, wait_scatter=True)

    for i in range(NBUF):
        k = NBLK - NBUF + i
        _block(k, i, refill=(k + LEAD < NBLK),
               wait_scatter=(k + LEAD < NBLK))

    for i in range(NBUF):
        pltpu.make_async_copy(rows[i], acc_sh.at[didx_v.at[NBLK - NBUF + i]],
                              ssems[i]).wait()

    plsc.subcore_barrier()

    @pl.loop(0, RPS // ZR)
    def _(kk):
        off = sid * RPS + kk * ZR
        pltpu.sync_copy(acc_sh.at[pl.ds(off, ZR)],
                        acc_hbm.at[pl.ds(cid * N + off, ZR)])


@jax.jit
def _edge_pass(g, src3, dst3):
    k = pl.kernel(
        _edge_body,
        out_type=jax.ShapeDtypeStruct((NC * N, D), jnp.float32),
        mesh=_mesh,
        compiler_params=_sc_params,
        scratch_types=[
            pltpu.VMEM((NBLK, B), jnp.int32),
            pltpu.VMEM((NBLK, B), jnp.int32),
            pltpu.VMEM((ZRW, D), jnp.float32),
        ] + [pltpu.VMEM((B, D), jnp.float32)] * NBUF
          + [pltpu.SemaphoreType.DMA] * (2 * NBUF)
          + [pltpu.VMEM_SHARED((N, D), jnp.float32)],
    )
    return k(g, src3, dst3).reshape(NC, N, D)



RB = 2000


def _dis(degp_ref):
    deg = degp_ref[:, 0] + degp_ref[:, 1] + 1.0
    return lax.rsqrt(deg)


def _pre_body(degp_ref, x_ref, w_ref, g_ref):
    h = jnp.dot(x_ref[...], w_ref[...], preferred_element_type=jnp.float32)
    g_ref[...] = h * _dis(degp_ref)[:, None]


def _mid_body(degp_ref, a_ref, g_ref, b_ref, w_ref, g2_ref):
    dis = _dis(degp_ref)[:, None]
    out1 = (a_ref[0] + a_ref[1] + g_ref[...]) * dis + b_ref[...]
    h2 = jnp.dot(jnp.maximum(out1, 0.0), w_ref[...],
                 preferred_element_type=jnp.float32)
    g2_ref[...] = h2 * dis


def _post_body(degp_ref, a_ref, g_ref, b_ref, o_ref):
    dis = _dis(degp_ref)[:, None]
    o_ref[...] = (a_ref[0] + a_ref[1] + g_ref[...]) * dis + b_ref[...]


_spec_degp = pl.BlockSpec((RB, 2), lambda i: (i, 0))
_spec_rows = pl.BlockSpec((RB, D), lambda i: (i, 0))
_spec_acc = pl.BlockSpec((2, RB, D), lambda i: (0, i, 0))
_spec_w = pl.BlockSpec((D, D), lambda i: (0, 0))
_spec_b = pl.BlockSpec((1, D), lambda i: (0, 0))
_out_rows = jax.ShapeDtypeStruct((N, D), jnp.float32)


@jax.jit
def _tc_pre(degp, x, w):
    return pl.pallas_call(
        _pre_body, grid=(N // RB,),
        in_specs=[_spec_degp, _spec_rows, _spec_w],
        out_specs=_spec_rows, out_shape=_out_rows,
    )(degp, x, w)


@jax.jit
def _tc_mid(degp, acc, g, b, w):
    return pl.pallas_call(
        _mid_body, grid=(N // RB,),
        in_specs=[_spec_degp, _spec_acc, _spec_rows, _spec_b, _spec_w],
        out_specs=_spec_rows, out_shape=_out_rows,
    )(degp, acc, g, b, w)


@jax.jit
def _tc_post(degp, acc, g, b):
    return pl.pallas_call(
        _post_body, grid=(N // RB,),
        in_specs=[_spec_degp, _spec_acc, _spec_rows, _spec_b],
        out_specs=_spec_rows, out_shape=_out_rows,
    )(degp, acc, g, b)




def kernel(x, edge_index, W1, b1, W2, b2):
    src3 = edge_index[0].reshape(NW, NBLK, B)
    dst3 = edge_index[1].reshape(NW, NBLK, B)
    b1r = b1.reshape(1, D)
    b2r = b2.reshape(1, D)

    degp = _deg_parts(dst3).T
    g1 = _tc_pre(degp, x, W1)
    acc1 = _edge_pass(g1, src3, dst3)
    g2 = _tc_mid(degp, acc1, g1, b1r, W2)
    acc2 = _edge_pass(g2, src3, dst3)
    return _tc_post(degp, acc2, g2, b2r)

# --- scband reference (transcript-rebuilt; emitter-appended) ---
"""Pipeline reference for scband-py-ggcnmodel-48893907698330 (READ-ONLY COPY).

The authoritative reference and input builder live on the scoring server;
editing this copy changes nothing except your own understanding.
"""

import jax, jax.numpy as jnp
import numpy as np

N = 10000
E = 320000
D_IN = 128
D_HID = 128
D_OUT = 128


def setup_inputs(seed: int = 0) -> dict:
    key = jax.random.key(seed)
    k1, k2, k3, k4 = jax.random.split(key, 4)
    x = jax.random.normal(k1, (N, D_IN), dtype=jnp.float32)
    edge_index = jax.random.randint(k2, (2, E), 0, N, dtype=jnp.int32)
    # GCNConv layer 1 params: weight [in, out] (applied as x @ W), bias [out]
    W1 = jax.random.normal(k3, (D_IN, D_HID), dtype=jnp.float32) * (1.0 / np.sqrt(D_IN))
    b1 = jnp.zeros((D_HID,), dtype=jnp.float32)
    # GCNConv layer 2 params
    W2 = jax.random.normal(k4, (D_HID, D_OUT), dtype=jnp.float32) * (1.0 / np.sqrt(D_HID))
    b2 = jnp.zeros((D_OUT,), dtype=jnp.float32)
    return {"x": x, "edge_index": edge_index, "W1": W1, "b1": b1, "W2": W2, "b2": b2}


def _gcn_conv(x, edge_index, W, b):
    # PyG GCNConv: add self-loops, symmetric normalization, x @ W, scatter-add aggregate at dst, + bias
    src = edge_index[0]
    dst = edge_index[1]
    loop = jnp.arange(N, dtype=edge_index.dtype)
    s = jnp.concatenate([src, loop])
    d = jnp.concatenate([dst, loop])
    h = x @ W
    deg = jnp.zeros((N,), dtype=x.dtype).at[d].add(1.0)
    deg_inv_sqrt = jnp.where(deg > 0, jax.lax.rsqrt(jnp.maximum(deg, 1e-12)), 0.0)
    norm = deg_inv_sqrt[s] * deg_inv_sqrt[d]
    msg = h[s] * norm[:, None]
    out = jnp.zeros((N, W.shape[1]), dtype=x.dtype).at[d].add(msg)
    return out + b


def reference(x, edge_index, W1, b1, W2, b2):
    h = _gcn_conv(x, edge_index, W1, b1)
    # nn.Sequential(Dropout(0.5), ReLU()) in eval mode: dropout is identity
    h = jax.nn.relu(h)
    out = _gcn_conv(h, edge_index, W2, b2)
    return out

if __name__ == "__main__":
    import jax
    _d = setup_inputs()
    print(jax.jit(kernel)(*tuple(_d.values())))

</pallas_src>

<mosaic_0001>
#map = affine_map<(d0, d1) -> (0, 0, 0)>
#map1 = affine_map<(d0, d1) -> (0, 0)>
module attributes {stable_mosaic.version = 14 : i64} {
  func.func @_deg_body(%arg0: i32, %arg1: i32, %arg2: memref<32x250x40xi32, #tpu.memory_space<hbm>>, %arg3: memref<20x1000xf32, #tpu.memory_space<hbm>>, %arg4: memref<250x40xi32, #tpu.memory_space<vmem>>, %arg5: memref<40xf32, #tpu.memory_space<vmem>>, %arg6: memref<1000xf32, #tpu.memory_space<vmem>>, %arg7: memref<10000xf32, #tpu.memory_space<vmem_shared>>, %arg8: memref<!tpu.dma_semaphore, #tpu.memory_space<semaphore_mem>>) attributes {dimension_semantics = [#tpu.dimension_semantics<core_parallel>, #tpu.dimension_semantics<subcore_parallel>], iteration_bounds = array<i64: 2, 16>, scalar_prefetch = 0 : i64, scratch_operands = 5 : i64, tpu.core_type = #tpu.core_type<sc_vector_subcore>, window_params = [{transform_indices = #map}, {transform_indices = #map1}]} {
    %mul3A = arith.constant 2 : i32
    %mul3A_0 = arith.muli %arg1, %mul3A : i32
    %add3A = arith.addi %mul3A_0, %arg0 : i32
    %scan3A = arith.constant 0 : i32
    %scan3A_1 = arith.constant 3 : i32
    %scan3A_2 = arith.addi %scan3A, %scan3A_1 : i32
    %scan3A_3 = arith.constant 1 : i32
    scf.for %scan3A_28 = %scan3A to %scan3A_2 step %scan3A_3  : i32 {
      %mul3A_29 = arith.constant 16 : i32
      %mul3A_30 = arith.muli %scan3A_28, %mul3A_29 : i32
      %add3A_31 = arith.constant 0 : i32
      %add3A_32 = arith.addi %add3A_31, %mul3A_30 : i32
      %broadcast_in_dim3A = arith.constant 1.000000e+00 : f32
      %broadcast_in_dim3A_33 = vector.broadcast %broadcast_in_dim3A : f32 to vector<16xf32>
      %swap3A = arith.index_cast %add3A_32 : i32 to index
      %swap3A_34 = tpu.vector_load %arg5[%swap3A] {strides = array<i32>} : memref<40xf32, #tpu.memory_space<vmem>>, vector<16xf32>,
      %swap3A_35 = vector.shape_cast %swap3A_34 : vector<16xf32> to vector<16xf32>
      %swap3A_36 = vector.shape_cast %broadcast_in_dim3A_33 : vector<16xf32> to vector<16xf32>
      tpu.vector_store %arg5[%swap3A], %swap3A_36 {strides = array<i32>} : memref<40xf32, #tpu.memory_space<vmem>>, vector<16xf32>,
    }
    %scan3A_4 = arith.constant 3 : i32
    %scan3A_5 = arith.constant 0 : i32
    %scan3A_6 = arith.constant 63 : i32
    %scan3A_7 = arith.addi %scan3A_5, %scan3A_6 : i32
    %scan3A_8 = arith.constant 1 : i32
    scf.for %scan3A_28 = %scan3A_5 to %scan3A_7 step %scan3A_8  : i32 {
      %mul3A_29 = arith.constant 16 : i32
      %mul3A_30 = arith.muli %scan3A_28, %mul3A_29 : i32
      %add3A_31 = arith.constant 0 : i32
      %add3A_32 = arith.addi %add3A_31, %mul3A_30 : i32
      %broadcast_in_dim3A = arith.constant 0.000000e+00 : f32
      %broadcast_in_dim3A_33 = vector.broadcast %broadcast_in_dim3A : f32 to vector<16xf32>
      %swap3A = arith.index_cast %add3A_32 : i32 to index
      %swap3A_34 = tpu.vector_load %arg6[%swap3A] {strides = array<i32>} : memref<1000xf32, #tpu.memory_space<vmem>>, vector<16xf32>,
      %swap3A_35 = vector.shape_cast %swap3A_34 : vector<16xf32> to vector<16xf32>
      %swap3A_36 = vector.shape_cast %broadcast_in_dim3A_33 : vector<16xf32> to vector<16xf32>
      tpu.vector_store %arg6[%swap3A], %swap3A_36 {strides = array<i32>} : memref<1000xf32, #tpu.memory_space<vmem>>, vector<16xf32>,
    }
    %scan3A_9 = arith.constant 63 : i32
    %lt3A = arith.constant 10 : i32
    %lt3A_10 = arith.cmpi slt, %arg1, %lt3A : i32
    %convert_element_type3A = arith.extui %lt3A_10 : i1 to i32
    %cond3A = arith.constant 0 : i32
    %cond3A_11 = arith.cmpi ne, %convert_element_type3A, %cond3A : i32
    scf.if %cond3A_11 {
      %mul3A_28 = arith.constant 1000 : i32
      %mul3A_29 = arith.muli %arg1, %mul3A_28 : i32
      "tpu.region"() ({
        %run_scoped3A = tpu.sem_alloc : memref<!tpu.dma_semaphore, #tpu.memory_space<semaphore_mem>>
        %dma_start3A = tpu.memref_slice %arg7[%mul3A_29] : memref<10000xf32, #tpu.memory_space<vmem_shared>> -> memref<1000xf32, #tpu.memory_space<vmem_shared>>
        %dma_start3A_30 = tpu.memref_slice %arg7[%mul3A_29] : memref<10000xf32, #tpu.memory_space<vmem_shared>> -> memref<1000xf32, #tpu.memory_space<vmem_shared>>
        tpu.enqueue_dma source(%arg6 : memref<1000xf32, #tpu.memory_space<vmem>>) target(%dma_start3A_30 : memref<1000xf32, #tpu.memory_space<vmem_shared>>) target_semaphore(%run_scoped3A : memref<!tpu.dma_semaphore, #tpu.memory_space<semaphore_mem>>)
        %dma_wait3A = tpu.memref_slice %arg7[%mul3A_29] : memref<10000xf32, #tpu.memory_space<vmem_shared>> -> memref<1000xf32, #tpu.memory_space<vmem_shared>>
        %dma_wait3A_31 = tpu.memref_slice %arg7[%mul3A_29] : memref<10000xf32, #tpu.memory_space<vmem_shared>> -> memref<1000xf32, #tpu.memory_space<vmem_shared>>
        tpu.wait_dma2 semaphore(%run_scoped3A : memref<!tpu.dma_semaphore, #tpu.memory_space<semaphore_mem>>) src(%arg6 : memref<1000xf32, #tpu.memory_space<vmem>>) dst(%dma_wait3A_31 : memref<1000xf32, #tpu.memory_space<vmem_shared>>)
        tpu.yield
      }) : () -> ()
    } else {
    }
    %barrier3A = arith.constant 0 : index
    tpu.barrier barrier_id(%barrier3A)
    "tpu.region"() ({
      %run_scoped3A = tpu.sem_alloc : memref<!tpu.dma_semaphore, #tpu.memory_space<semaphore_mem>>
      %dma_start3A = arith.constant 0 : i32
      %dma_start3A_28 = arith.constant 0 : i32
      %dma_start3A_29 = tpu.memref_slice %arg2[%add3A, %dma_start3A, %dma_start3A_28] : memref<32x250x40xi32, #tpu.memory_space<hbm>> -> memref<1x250x40xi32, #tpu.memory_space<hbm>>
      %dma_start3A_30 = tpu.memref_squeeze %dma_start3A_29 : memref<1x250x40xi32, #tpu.memory_space<hbm>> -> memref<250x40xi32, #tpu.memory_space<hbm>>
      %dma_start3A_31 = arith.constant 0 : i32
      %dma_start3A_32 = arith.constant 0 : i32
      %dma_start3A_33 = tpu.memref_slice %arg2[%add3A, %dma_start3A_31, %dma_start3A_32] : memref<32x250x40xi32, #tpu.memory_space<hbm>> -> memref<1x250x40xi32, #tpu.memory_space<hbm>>
      %dma_start3A_34 = tpu.memref_squeeze %dma_start3A_33 : memref<1x250x40xi32, #tpu.memory_space<hbm>> -> memref<250x40xi32, #tpu.memory_space<hbm>>
      tpu.enqueue_dma source(%dma_start3A_34 : memref<250x40xi32, #tpu.memory_space<hbm>>) target(%arg4 : memref<250x40xi32, #tpu.memory_space<vmem>>) target_semaphore(%run_scoped3A : memref<!tpu.dma_semaphore, #tpu.memory_space<semaphore_mem>>)
      %dma_wait3A = arith.constant 0 : i32
      %dma_wait3A_35 = arith.constant 0 : i32
      %dma_wait3A_36 = tpu.memref_slice %arg2[%add3A, %dma_wait3A, %dma_wait3A_35] : memref<32x250x40xi32, #tpu.memory_space<hbm>> -> memref<1x250x40xi32, #tpu.memory_space<hbm>>
      %dma_wait3A_37 = tpu.memref_squeeze %dma_wait3A_36 : memref<1x250x40xi32, #tpu.memory_space<hbm>> -> memref<250x40xi32, #tpu.memory_space<hbm>>
      %dma_wait3A_38 = arith.constant 0 : i32
      %dma_wait3A_39 = arith.constant 0 : i32
      %dma_wait3A_40 = tpu.memref_slice %arg2[%add3A, %dma_wait3A_38, %dma_wait3A_39] : memref<32x250x40xi32, #tpu.memory_space<hbm>> -> memref<1x250x40xi32, #tpu.memory_space<hbm>>
      %dma_wait3A_41 = tpu.memref_squeeze %dma_wait3A_40 : memref<1x250x40xi32, #tpu.memory_space<hbm>> -> memref<250x40xi32, #tpu.memory_space<hbm>>
      tpu.wait_dma2 semaphore(%run_scoped3A : memref<!tpu.dma_semaphore, #tpu.memory_space<semaphore_mem>>) src(%dma_wait3A_41 : memref<250x40xi32, #tpu.memory_space<hbm>>) dst(%arg4 : memref<250x40xi32, #tpu.memory_space<vmem>>)
      tpu.yield
    }) : () -> ()
    %scan3A_12 = arith.constant 0 : i32
    %scan3A_13 = arith.constant 250 : i32
    %scan3A_14 = arith.addi %scan3A_12, %scan3A_13 : i32
    %scan3A_15 = arith.constant 1 : i32
    scf.for %scan3A_28 = %scan3A_12 to %scan3A_14 step %scan3A_15  : i32 {
      %mul3A_29 = arith.constant 1 : i32
      %mul3A_30 = arith.muli %scan3A_28, %mul3A_29 : i32
      %add3A_31 = arith.constant 0 : i32
      %add3A_32 = arith.addi %add3A_31, %mul3A_30 : i32
      %dma_start3A = arith.constant 0 : i32
      %dma_start3A_33 = tpu.memref_slice %arg4[%add3A_32, %dma_start3A] : memref<250x40xi32, #tpu.memory_space<vmem>> -> memref<1x40xi32, #tpu.memory_space<vmem>>
      %dma_start3A_34 = tpu.memref_squeeze %dma_start3A_33 : memref<1x40xi32, #tpu.memory_space<vmem>> -> memref<40xi32, #tpu.memory_space<vmem>>
      %dma_start3A_35 = arith.constant 0 : i32
      %dma_start3A_36 = tpu.memref_slice %arg7[%dma_start3A_35] : memref<10000xf32, #tpu.memory_space<vmem_shared>> -> memref<10000xf32, #tpu.memory_space<vmem_shared>>
      tpu.enqueue_indirect_dma source(%arg5 : memref<40xf32, #tpu.memory_space<vmem>>) target(%dma_start3A_36 : memref<10000xf32, #tpu.memory_space<vmem_shared>>) offsets(%dma_start3A_34 : memref<40xi32, #tpu.memory_space<vmem>>) semaphore(%arg8 : memref<!tpu.dma_semaphore, #tpu.memory_space<semaphore_mem>>) {add = true}
    }
    %scan3A_16 = arith.constant 250 : i32
    %scan3A_17 = arith.constant 0 : i32
    %scan3A_18 = arith.constant 250 : i32
    %scan3A_19 = arith.addi %scan3A_17, %scan3A_18 : i32
    %scan3A_20 = arith.constant 1 : i32
    scf.for %scan3A_28 = %scan3A_17 to %scan3A_19 step %scan3A_20  : i32 {
      %mul3A_29 = arith.constant 1 : i32
      %mul3A_30 = arith.muli %scan3A_28, %mul3A_29 : i32
      %add3A_31 = arith.constant 0 : i32
      %add3A_32 = arith.addi %add3A_31, %mul3A_30 : i32
      %dma_wait3A = arith.constant 0 : i32
      %dma_wait3A_33 = tpu.memref_slice %arg4[%add3A_32, %dma_wait3A] : memref<250x40xi32, #tpu.memory_space<vmem>> -> memref<1x40xi32, #tpu.memory_space<vmem>>
      %dma_wait3A_34 = tpu.memref_squeeze %dma_wait3A_33 : memref<1x40xi32, #tpu.memory_space<vmem>> -> memref<40xi32, #tpu.memory_space<vmem>>
      %dma_wait3A_35 = arith.constant 0 : i32
      %dma_wait3A_36 = tpu.memref_slice %arg7[%dma_wait3A_35] : memref<10000xf32, #tpu.memory_space<vmem_shared>> -> memref<10000xf32, #tpu.memory_space<vmem_shared>>
      tpu.wait_indirect_dma semaphore(%arg8 : memref<!tpu.dma_semaphore, #tpu.memory_space<semaphore_mem>>) src(%arg5 : memref<40xf32, #tpu.memory_space<vmem>>) dst(%dma_wait3A_36 : memref<10000xf32, #tpu.memory_space<vmem_shared>>)
    }
    %scan3A_21 = arith.constant 250 : i32
    %barrier3A_22 = arith.constant 0 : index
    tpu.barrier barrier_id(%barrier3A_22)
    %lt3A_23 = arith.constant 10 : i32
    %lt3A_24 = arith.cmpi slt, %arg1, %lt3A_23 : i32
    %convert_element_type3A_25 = arith.extui %lt3A_24 : i1 to i32
    %cond3A_26 = arith.constant 0 : i32
    %cond3A_27 = arith.cmpi ne, %convert_element_type3A_25, %cond3A_26 : i32
    scf.if %cond3A_27 {
      %mul3A_28 = arith.constant 10 : i32
      %mul3A_29 = arith.muli %arg0, %mul3A_28 : i32
      %add3A_30 = arith.addi %mul3A_29, %arg1 : i32
      %mul3A_31 = arith.constant 1000 : i32
      %mul3A_32 = arith.muli %arg1, %mul3A_31 : i32
      "tpu.region"() ({
        %run_scoped3A = tpu.sem_alloc : memref<!tpu.dma_semaphore, #tpu.memory_space<semaphore_mem>>
        %dma_start3A = arith.constant 0 : i32
        %dma_start3A_33 = tpu.memref_slice %arg3[%add3A_30, %dma_start3A] : memref<20x1000xf32, #tpu.memory_space<hbm>> -> memref<1x1000xf32, #tpu.memory_space<hbm>>
        %dma_start3A_34 = tpu.memref_squeeze %dma_start3A_33 : memref<1x1000xf32, #tpu.memory_space<hbm>> -> memref<1000xf32, #tpu.memory_space<hbm>>
        %dma_start3A_35 = tpu.memref_slice %arg7[%mul3A_32] : memref<10000xf32, #tpu.memory_space<vmem_shared>> -> memref<1000xf32, #tpu.memory_space<vmem_shared>>
        tpu.enqueue_dma source(%dma_start3A_35 : memref<1000xf32, #tpu.memory_space<vmem_shared>>) target(%dma_start3A_34 : memref<1000xf32, #tpu.memory_space<hbm>>) target_semaphore(%run_scoped3A : memref<!tpu.dma_semaphore, #tpu.memory_space<semaphore_mem>>)
        %dma_wait3A = arith.constant 0 : i32
        %dma_wait3A_36 = tpu.memref_slice %arg3[%add3A_30, %dma_wait3A] : memref<20x1000xf32, #tpu.memory_space<hbm>> -> memref<1x1000xf32, #tpu.memory_space<hbm>>
        %dma_wait3A_37 = tpu.memref_squeeze %dma_wait3A_36 : memref<1x1000xf32, #tpu.memory_space<hbm>> -> memref<1000xf32, #tpu.memory_space<hbm>>
        %dma_wait3A_38 = tpu.memref_slice %arg7[%mul3A_32] : memref<10000xf32, #tpu.memory_space<vmem_shared>> -> memref<1000xf32, #tpu.memory_space<vmem_shared>>
        tpu.wait_dma2 semaphore(%run_scoped3A : memref<!tpu.dma_semaphore, #tpu.memory_space<semaphore_mem>>) src(%dma_wait3A_38 : memref<1000xf32, #tpu.memory_space<vmem_shared>>) dst(%dma_wait3A_37 : memref<1000xf32, #tpu.memory_space<hbm>>)
        tpu.yield
      }) : () -> ()
    } else {
    }
    return
  }
}

</mosaic_0001>

<sc_bundles>
// kernel: _deg_parts.3.cloned.1.call-start
scs
__scs_entry_jumppad:
0x0: {  	(pc) =	sbr.rel $0x88, $3  }
0x1: {  	(tag) =	ssettag $0x0;
	lr =	simm.s32 $0x1  }
0x2: {  	[smem:$0x3FA0] =	sst lr;
	_ =	strace $0xD0000000  }
0x3: {  	_ = 	snop  }
0x4: {  	_ = 	snop  }
0x5: {  	_ = 	snop  }
0x6: {  	_ = 	snop  }
0x7: {  	_ = 	snop  }
__scs_overlays_trampoline_lowered:
0x8: {  	[smem:$0x3FAF] =	sst s0  }
0x9: {  	[smem:$0x3FB0] =	sst s1  }
0xa: {  	[smem:$0x3FB1] =	sst s2  }
0xb: {  	[smem:$0x3FB2] =	sst s3  }
0xc: {  	[smem:$0x3FB3] =	sst s4  }
0xd: {  	[smem:$0x3FB4] =	sst s5  }
0xe: {  	[smem:$0x3FB5] =	sst s6  }
0xf: {  	[smem:$0x3FB6] =	sst s7  }
0x10: {  	[smem:$0x3FB7] =	sst s8  }
0x11: {  	[smem:$0x3FB8] =	sst s9;
	s0 =	simm.s32 @!p0 $0x0  }
0x12: {  	s1 =	sld [smem:$0x3F9E];
	s0 =	simm.s32 @p0 $0x1  }
0x13: {  	[smem:$0x3FB9] =	sst s0;
	s0 =	simm.s32 @!p1 $0x0  }
0x14: {  	s2 =	sld [smem:$0x3F9D];
	s0 =	simm.s32 @p1 $0x1  }
0x15: {  	[smem:$0x3FBA] =	sst s0;
	s0 =	simm.s32 @!p2 $0x0  }
0x16: {  	s3 =	sld [smem:$0x3FDB];
	s0 =	simm.s32 @p2 $0x1  }
0x17: {  	s4 =	simm.s32 $0x1BF5;
	[smem:$0x3FBC] =	sst s0  }
0x18: {  	s0 =	sld [smem:$0x3F9F];
	_ =	swait.ge [sflag:s4], $0x0  }
0x19: {  	s7 =	sld [smem:$0x3FA0]  }
0x1a: {  	s8 =	sadd.s32 $0xFFFFE003, lr  }
0x1b: {  	s9 =	sadd.s32 $0xFFFFFEF7, lr;
	s5 =	simm.s32 $0xFFFFFFFF;
	p2 =	slt.u32 s8, $0xFFFFF086  }
0x1c: {  	p1 =	slt.u32 s9, $0xF7A;
	s5 =	simm.s32 @!p2 $0x0  }
0x1d: {  	s5 =	simm.s32 @p1 $0x1;
	p0 =	seq.s32 s7, s2  }
0x1e: {  	s7 =	smul.u32 @!p0 $0xF7A, s2;
	p2 =	seq.s32 @!p0 s5, $0x0  }
0x1f: {  	s9 =	smul.u32 $0xF7A, s1;
	s8 =	simm.s32 @!p0 $0x1BF5;
	p2 =	por !p2, p0  }
0x20: {  	[sflag:s8] =	ssyncset.s32 @!p0 $0xFFFFF086;
	s6 =	sadd.s32 @!p0 s3, s7;
	s7 =	simm.s32 @!p0 $0x108  }
0x21: {  	s3 =	sadd.s32 s3, s9;
	s6 =	sadd.s32 @!p0 $0x88, s6;
	s7 =	simm.s32 @p2 $0x1082  }
0x22: {  	[simem:s7], [sflag:s8] =	dma.local @!p0 [hbm:s6], $0xF7A  }
0x23: {  	s9 =	sor.u32 $0xD0000000, s2;
	s6 =	simm.s32 $0x108;
	_ =	swait.ge @!p0 [sflag:s8], $0x0  }
0x24: {  	s3 =	sadd.s32 $0x88, s3;
	s6 =	simm.s32 @!p1 $0x1082;
	[sflag:s4] =	ssyncset.s32 $0xFFFFF086  }
0x25: {  	[simem:s6], [sflag:s4] =	dma.local [hbm:s3], $0xF7A  }
0x26: {  	[smem:$0x3FA0] =	sst s1;
	(tag) =	ssettag s2;
	_ =	strace s9  }
0x27: {  	s1 =	sld [smem:$0x3FB0]  }
0x28: {  	s2 =	sld [smem:$0x3FB1]  }
0x29: {  	s4 =	sld [smem:$0x3FB3]  }
0x2a: {  	p0 =	seq.s32 s5, $0x0;
	s5 =	sld [smem:$0x3FB4]  }
0x2b: {  	s6 =	sld [smem:$0x3FB5]  }
0x2c: {  	s7 =	sld [smem:$0x3FB6]  }
0x2d: {  	s3 =	simm.s32 $0x108;
	s8 =	sld [smem:$0x3FB7]  }
0x2e: {  	s3 =	simm.s32 @!p0 $0x1082;
	s9 =	sld [smem:$0x3FB8]  }
0x2f: {  	lr =	sadd.s32 s0, s3;
	s0 =	sld [smem:$0x3FAF]  }
0x30: {  	s3 =	sld [smem:$0x3FB2]  }
0x31: {  	[smem:$0x3FBB] =	sst s10  }
0x32: {  	s10 =	sld [smem:$0x3FB9];
	_ =	sdelay $0x3  }
0x33: {  	p0 =	seq.s32 s10, $0x1;
	s10 =	sld [smem:$0x3FBB];
	_ =	sdelay $0x3  }
0x34: {  	[smem:$0x3FBB] =	sst s10  }
0x35: {  	s10 =	sld [smem:$0x3FBA];
	_ =	sdelay $0x3  }
0x36: {  	p1 =	seq.s32 s10, $0x1;
	s10 =	sld [smem:$0x3FBB];
	_ =	sdelay $0x3  }
0x37: {  	[smem:$0x3FBB] =	sst s10  }
0x38: {  	s10 =	sld [smem:$0x3FBC]  }
0x39: {  	_ = 	snop;
	(pc) =	sbr.ind lr, $3  }
0x3a: {  	_ = 	snop  }
0x3b: {  	_ = 	snop  }
0x3c: {  	p2 =	seq.s32 s10, $0x1;
	s10 =	sld [smem:$0x3FBB]  }
0x3d: {  	_ =	shalt  }
0x3e: {  	_ =	shalt  }
0x3f: {  	_ =	shalt  }
0x40: {  	_ =	shalt  }
0x41: {  	_ =	shalt  }
0x42: {  	_ =	shalt  }
0x43: {  	_ =	shalt  }
0x44: {  	_ =	shalt  }
0x45: {  	_ =	shalt  }
0x46: {  	_ =	shalt  }
0x47: {  	_ =	shalt  }
0x48: {  	_ =	shalt  }
0x49: {  	_ =	shalt  }
0x4a: {  	_ =	shalt  }
0x4b: {  	_ =	shalt  }
0x4c: {  	_ =	shalt  }
0x4d: {  	_ =	shalt  }
0x4e: {  	_ =	shalt  }
0x4f: {  	_ =	shalt  }
0x50: {  	_ =	shalt  }
0x51: {  	_ =	shalt  }
0x52: {  	_ =	shalt  }
0x53: {  	_ =	shalt  }
0x54: {  	_ =	shalt  }
0x55: {  	_ =	shalt  }
0x56: {  	_ =	shalt  }
0x57: {  	_ =	shalt  }
0x58: {  	_ =	shalt  }
0x59: {  	_ =	shalt  }
0x5a: {  	_ =	shalt  }
0x5b: {  	_ =	shalt  }
0x5c: {  	_ =	shalt  }
0x5d: {  	_ =	shalt  }
0x5e: {  	_ =	shalt  }
0x5f: {  	_ =	shalt  }
0x60: {  	_ =	shalt  }
0x61: {  	_ =	shalt  }
0x62: {  	_ =	shalt  }
0x63: {  	_ =	shalt  }
0x64: {  	_ =	shalt  }
0x65: {  	_ =	shalt  }
0x66: {  	_ =	shalt  }
0x67: {  	_ =	shalt  }
0x68: {  	_ =	shalt  }
0x69: {  	_ =	shalt  }
0x6a: {  	_ =	shalt  }
0x6b: {  	_ =	shalt  }
0x6c: {  	_ =	shalt  }
0x6d: {  	_ =	shalt  }
0x6e: {  	_ =	shalt  }
0x6f: {  	_ =	shalt  }
0x70: {  	_ =	shalt  }
0x71: {  	_ =	shalt  }
0x72: {  	_ =	shalt  }
0x73: {  	_ =	shalt  }
0x74: {  	_ =	shalt  }
0x75: {  	_ =	shalt  }
0x76: {  	_ =	shalt  }
0x77: {  	_ =	shalt  }
0x78: {  	_ =	shalt  }
0x79: {  	_ =	shalt  }
0x7a: {  	_ =	shalt  }
0x7b: {  	_ =	shalt  }
0x7c: {  	_ =	shalt  }
0x7d: {  	_ =	shalt  }
0x7e: {  	_ =	shalt  }
0x7f: {  	_ =	shalt  }
0x80: {  	_ =	shalt  }
0x81: {  	_ =	shalt  }
0x82: {  	_ =	shalt  }
0x83: {  	_ =	shalt  }
0x84: {  	_ =	shalt  }
0x85: {  	_ =	shalt  }
0x86: {  	_ =	shalt  }
0x87: {  	_ =	shalt  }
.Lfunc_end0:
.L_simem_size_0:
called_computation_lowered:
.L_overlay_start_0:
0x88: {  	s2 =	sld [smem:$0x3FD9]  }
0x89: {  	s3 =	sld [smem:$0x3FFE];
	_ =	sdelay $0x1  }
0x8a: {  	s1 =	srdreg.scid  }
0x8b: {  	s0 =	sand.u32 $0x1, s1  }
0x8c: {  	s16 =	sshll.u32 s0, $0xA;
	s2 =	sadd.s32 s3, s2  }
0x8d: {  	s2 =	sadd.s32 s2, s16  }
0x8e: {  	[smem:$0x3FC7] =	sst s2  }
0x8f: {  	_ = 	snop  }
0x90: {  	(tm) =	ssettm $0x1  }
0x91: {  	s17 =	sld [smem:$0x3FFB];
	_ =	sdelay $0x3  }
0x92: {  	_ =	strace s17  }
0x93: {  	s2 =	sld [smem:$0x3FFC];
	_ =	sdelay $0x3  }
0x94: {  	_ =	strace s2  }
0x95: {  	s2 =	sld [smem:$0x3FFD];
	_ =	sdelay $0x3  }
0x96: {  	_ =	strace s2  }
0x97: {  	_ =	strace $0x8FFFFFFF  }
0x98: {  	s18 =	sld [smem:$0x3FDB];
	_ =	sdelay $0x1  }
0x99: {  	s19 =	simm.s32 $_scs_section_size  }
0x9a: {  	s4 =	simm.s32 $_size__tile_overlayer_lowered;
	s5 =	simm.s32 $_tile_overlayer_lowered  }
0x9b: {  	s22 =	simm.s32 $0x1BFF;
	s21 =	sshll.u32 s5, $0x1;
	s2 =	sadd.s32 s19, s18  }
0x9c: {  	s6 =	simm.s32 $0x0;
	s20 =	sshll.u32 s4, $0x1;
	s4 =	sadd.s32 s21, s2  }
0x9d: {  	[timem:s6], [sflag:s22] =	dma.local [hbm:s4], s20  }
0x9e: {  	_ =	swait.ge [sflag:s22], s20  }
0x9f: {  	s3 =	ssub.s32 $0x0, s20;
	[sflag:s22] =	ssyncset.done $0x0  }
0xa0: {  	[sflag:s22] =	ssyncadd.s32 s3;
	_ =	sdelay $0x1  }
0xa1: {  	s23 =	simm.s32 $0x1B8B  }
0xa2: {  	_ =	swait.ge [sflag:s23], $0x1  }
0xa3: {  	[sflag:s23] =	ssyncset.done $0x0  }
0xa4: {  	s25 =	simm.s32 $0x1B8E;
	s24 =	sld [smem:$0x3FFE];
	[sflag:s23] =	ssyncadd.s32 $0xFFFFFFFF  }
0xa5: {  	s26 =	simm.s32 $execute0_lowered;
	[smem:$0x3FD2] =	sst s25  }
0xa6: {  	s4 =	sshll.u32 s26, $0x1;
	_ =	strace $0x80000046;
	[dreg:$0x1] =	wrdreg $0xFFFFFFFF  }
0xa7: {  	s28 =	simm.s32 $_size_execute0_lowered;
	s2 =	sadd.s32 s2, s4;
	[dreg:$0x0] =	wrdreg $0x0  }
0xa8: {  	s4 =	sshll.u32 s28, $0x1;
	[dreg:$0x2] =	wrdreg s2  }
0xa9: {  	[dreg:$0x3] =	wrdreg s4  }
0xaa: {  	[dreg:$0x4] =	wrdreg $0xC0  }
0xab: {  	_ =	task [dreg:s6], $0x5FFFF  }
0xac: {  	[dreg:$0x1] =	wrdreg $0xFFFFFFFF  }
0xad: {  	[dreg:$0x0] =	wrdreg $0x60  }
0xae: {  	[dreg:$0x2] =	wrdreg s24  }
0xaf: {  	[dreg:$0x3] =	wrdreg $0x2B200  }
0xb0: {  	[dreg:$0x4] =	wrdreg $0x9  }
0xb1: {  	_ =	task.clear_ibuf [dreg:s6], $0x5FFFF;
	_ =	strace $0x90000046  }
0xb2: {  	s29 =	simm.s32 $0x9;
	_ =	strace $0x80000048  }
0xb3: {  	_ =	swait.ge [sflag:s29], $0x1  }
0xb4: {  	[sflag:s29] =	ssyncadd.s32 $0xFFFFFFFF  }
0xb5: {  	_ =	strace $0x90000048  }
0xb6: {  	_ =	sfence  }
0xb7: {  	s30 =	sld [smem:$0x0];
	_ =	sdelay $0x2  }
0xb8: {  	s31 =	sshll.u32 s1, $0xD;
	s1 =	sshrl.u32 s1, $0x2  }
0xb9: {  	s3 =	sand.u32 $0x4000, s31;
	s1 =	sadd.s32 s1, s30  }
0xba: {  	s0 =	sor.u32 s3, s0;
	s1 =	sshll.u32 s1, $0x11  }
0xbb: {  	s0 =	sor.u32 s1, s0  }
0xbc: {  	s0 =	sadd.s32 $0x8F2B, s0  }
0xbd: {  	[sflag:s0] =	ssyncadd.remote.s32 $0x1  }
0xbe: {  	_ =	sfence.sel $0xFFFF  }
0xbf: {  	[dreg:$0x0] =	wrdreg $0xFFFFFFFF;
	(pc) =	sbr.abs _section_cstart, $3  }
0xc0: {  	[dreg:$0x1] =	wrdreg $0xFFFFFFFF  }
0xc1: {  	_ =	task.clear_ibuf [dreg:s6], $0x2FFFF;
	_ =	strace $0x9FFFFFFF  }
0xc2: {  	(tm) =	ssettm $0x7FFFFFFF  }
0xc3: {  	_ =	shalt  }
tec
execute0_lowered:
.L_overlay_start_1:
0x0: {  	(tag) =	ssettag $0x1  }
0x1: {  	s1 =	srdreg.scid;
	s5 =	rddreg [dreg:$0x0]  }
0x2: {  	s0 =	stileid.u32;
	s2 =	rddreg [dreg:$0x1]  }
0x3: {  	s10 =	simm.s32 $0x2710;
	s11 =	simm.s32 $0x1;
	s4 =	sand.u32 $0x1, s1  }
0x4: {  	s30 =	sshll.u32 s0, $0x1;
	s8 =	smul.u32 $0xFA0, s0;
	p0 =	sgt.u32 s0, $0x9  }
0x5: {  	s3 =	smul.u32 $0xA, s4;
	s1 =	sor.u32 s4, s30;
	s4 =	ssub.s32 $0x2, s4  }
0x6: {  	s12 =	sshll.u32 @!p0 s0, $0x6;
	s6 =	smul.u32 $0x4E2, s1;
	s1 =	rddreg [dreg:$0x2]  }
0x7: {  	s9 =	sshrl.u32 s4, $0x1;
	s31 =	sshrl.u32 s8, $0x2;
	s8 =	simm.s32 $0x2  }
0x8: {  	s12 =	sor.u32 @!p0 $0x1C02, s12;
	s7 =	sadd.s32 s0, s3;
	s3 =	simm.s32 $0x0  }
0x9: {  	s9 =	ssub.s32 s4, s9;
	s4 =	sadd.s32 s31, s2;
	s7 =	smul.u32 $0x7D, s7  }
0xa: {  	[smem:$0x7FF] =	sst s3;
	s6 =	sadd.s32 s6, s5;
	s13 =	sshrl.u32 @!p0 s4, $0x3  }
0xb: {  	_ =	strace $0x80000047;
	s7 =	sadd.s32 s7, s5;
	s5 =	sadd.s32 $0x400, s6  }
0xc: {  	v0 =	vimm.f32 $1.000000000e+00;
	v1 =	vimm.f32 $0.0e+00;
	s6 =	sadd.s32 $0xA200, s7;
	s7 =	smax.u32 s9, $0x1;
	s9 =	simm.s32 $0x28  }
.LBB2_1:
0xd: {  	[tilespmem:$0x2710] =	vst v0  }
0xe: {  	[tilespmem:$0x2720] =	vst v0  }
0xf: {  	[tilespmem:$0x2730] =	vst v0;
	s14 =	simm.s32 $0x40;
	s15 =	simm.s32 $0x0  }
.LBB2_2:
0x10: {  	p1 =	sne.s32 s14, $0xF80;
	[tilespmem:s15+$0x2738] =	vst v1;
	s15 =	smov.u32 s14;
	s14 =	sadd.s32 $0x40, s14  }
.Ltmp0:
0x11: {  	(pc) =	sbr.rel @p1 .LBB2_2-.Ltmp0, $2  }
0x12: {  	_ =	sdelay $0x2  }
0x13: {  	s15 =	sshra.s32 s15, $0x2  }
0x14: {  	[tilespmem:s15+$0x2738] =	vst v1;
	s14 =	simm.s32 @!p0 $0x2738  }
0x15: {  	[spmem:s4] =	stream.linear.scatter @!p0 [tilespmem:s14], [sflag:$0x2], $0x3E8, $0x38;
	[tilespmem:$0x2D98] =	vst v63  }
0x16: {  	s14 =	simm.s32 @!p0 $0x2  }
0x17: {  	_ =	swait.ge @!p0 [sflag:s14], $0x3E8  }
0x18: {  	[sflag:s14] =	ssyncset.done @!p0 $0x0  }
0x19: {  	[sflag:s14] =	ssyncadd.s32 @!p0 $0xFFFFFC18  }
0x1a: {  	s14 =	simm.s32 $0x0;
	[bflag:$0x0] =	sbarrier.arrive $0xFFFF  }
0x1b: {  	[tilespmem:s14], [sflag:$0x2] =	stream.linear.gather [hbm4b:s5+s14], $0x2710, $0x38;
	[tilespmem:$0x2D98] =	vst v63  }
0x1c: {  	_ =	swait.ge [sflag:s8], $0x2710  }
0x1d: {  	[sflag:s8] =	ssyncset.done $0x0  }
0x1e: {  	[sflag:s8] =	ssyncadd.s32 $0xFFFFD8F0  }
.LBB2_4:
0x1f: {  	p1 =	sne.s32 s14, $0x9BA0  }
.Ltmp1:
0x20: {  	_ = 	snop;
	(pc) =	sbr.rel @p1 .LBB2_4-.Ltmp1, $3  }
0x21: {  	_ =	sdelay $0x1  }
0x22: {  	s15 =	sshra.s32 s14, $0x2;
	s14 =	sadd.s32 $0xA0, s14  }
0x23: {  	[spmem:s2] =	stream.indirect.scatter.add.f32 [tilespmem:s10], [sflag:$0x1], $0x1, s15, s9, $0xb8;
	[tilespmem:$0x2D98] =	vst v63  }
0x24: {  	_ =	swait.ge [sflag:s11], $0x28  }
0x25: {  	s14 =	simm.s32 $0xF9;
	[sflag:s11] =	ssyncset.done $0x0  }
.LBB2_6:
0x26: {  	p1 =	sne.s32 s14, $0x1;
	s14 =	sadd.s32 $0xFFFFFFFF, s14;
	[sflag:s11] =	ssyncadd.s32 $0xFFFFFFD8  }
.Ltmp2:
0x27: {  	(pc) =	sbr.rel @p1 .LBB2_6-.Ltmp2, $3  }
0x28: {  	_ =	sdelay $0x1  }
0x29: {  	_ =	swait.ge [sflag:s11], $0x28  }
0x2a: {  	[sflag:s11] =	ssyncset.done $0x0  }
0x2b: {  	s3 =	sadd.s32 $0x1, s3  }
0x2c: {  	[sflag:s11] =	ssyncadd.s32 $0xFFFFFFD8;
	p1 =	sne.s32 s3, s7  }
.Ltmp3:
0x2d: {  	s14 =	simm.s32 @!p0 $0x2;
	[bflag:$0x0] =	sbarrier.arrive $0xFFFF;
	(pc) =	sbr.rel @p1 .LBB2_1-.Ltmp3, $4  }
0x2e: {  	[hbm:s6], [sflag:s12] =	dma.local @!p0 [spmem:s13], $0x7D  }
0x2f: {  	_ =	swait.ge @!p0 [sflag:s14], $0x7D  }
0x30: {  	[sflag:s14] =	ssyncset.done @!p0 $0x0  }
0x31: {  	[sflag:s14] =	ssyncadd.s32 @!p0 $0xFFFFFF83  }
0x32: {  	_ =	sfence.sel $0x180000  }
0x33: {  	[bflag:$0x0] =	sbarrier.arrive $0xFFFF  }
0x34: {  	p0 =	sne.s32 s0, $0x0;
	_ =	strace $0x90000047  }
0x35: {  	s0 =	sadd.s32 @!p0 $0x100000, s1;
	[bflag:$0x2] =	sbarrier.arrive $0xFFFF  }
0x36: {  	[sflag:s0] =	ssyncadd.tile.s32 @!p0 $0x1;
	_ =	shalt  }
.Lfunc_end2:
_tile_overlayer_lowered:
.L_overlay_start_2:
0x37: {  	(tag) =	ssettag $0x2  }
0x38: {  	s0 =	rddreg [dreg:$0x0];
	s2 =	stileid.u32  }
0x39: {  	s1 =	rddreg [dreg:$0x1];
	p0 =	sne.s32 s2, $0x0  }
0x3a: {  	s3 =	rddreg [dreg:$0x2];
	[bflag:$0x3] =	sbarrier.arrive $0xFFFF;
	s2 =	simm.s32 @!p0 $0x1C02  }
0x3b: {  	[timem:s3], [sflag:s2] =	dma.local @!p0 [hbm:s0], s1  }
0x3c: {  	s0 =	simm.s32 @!p0 $0x2  }
0x3d: {  	_ =	swait.ge @!p0 [sflag:s0], s1  }
0x3e: {  	s1 =	ssub.s32 @!p0 $0x0, s1;
	[sflag:s0] =	ssyncset.done @!p0 $0x0  }
0x3f: {  	[sflag:s0] =	ssyncadd.s32 @!p0 s1  }
0x40: {  	[bflag:$0x3] =	sbarrier.arrive $0xFFFF  }
0x41: {  	_ =	shalt  }

</sc_bundles>
